<compile_context>
chip_gen: v7x
topology: tpu7x:2x2x1
jax: 0.10.2.dev20260603
libtpu: 0.0.44.dev20260713+nightly
codegen_flags: <defaults>
</compile_context>

<pallas_src>
import functools

import jax
import jax.numpy as jnp
from jax import lax
from jax.experimental import pallas as pl
from jax.experimental.pallas import tpu as pltpu
from jax.experimental.pallas import tpu_sc as plsc

D = 128
F = 64
TPAD = 72
N = 8192

NC, NS = 2, 16
NW = NC * NS
B_PER_W = N // NW
CHUNK = 128


def _tc_body(mask_ref, emb_ref, w1_ref, b1_ref, w2_ref, b2_ref,
             counts_ref, table_ref):
    m = mask_ref[...]
    rows = m.shape[0]
    f = lax.broadcasted_iota(jnp.int32, (D, D), 0)
    l2 = lax.broadcasted_iota(jnp.int32, (D, D), 1)
    blockdiag = ((f < F) == (l2 < F)).astype(jnp.float32)
    q = jnp.dot(m.astype(jnp.float32), blockdiag,
                preferred_element_type=jnp.float32)
    r = jnp.roll(q, F, axis=1)
    ng = rows // F
    q3 = q.reshape(ng, F, D)
    r3 = r.reshape(ng, F, D)
    sub = lax.broadcasted_iota(jnp.int32, q3.shape, 1)
    lane = lax.broadcasted_iota(jnp.int32, q3.shape, 2)
    on_diag = sub == lane // 2
    par_hi = (lane % 2) == (lane // F)
    eq = (on_diag & par_hi).astype(jnp.float32)
    er = (on_diag & ~par_hi).astype(jnp.float32)
    counts_ref[...] = jnp.sum(q3 * eq + r3 * er, axis=1).astype(jnp.int32)

    @pl.when(pl.program_id(0) == 0)
    def _():
        r = lax.broadcasted_iota(jnp.int32, (TPAD, D), 0).astype(
            jnp.float32) * (1.0 / F)
        x = r * w1_ref[...] + b1_ref[...]
        h = x * jax.nn.sigmoid(x)
        ratio = jnp.dot(h, w2_ref[...], preferred_element_type=jnp.float32)
        e0 = emb_ref[0:1, :]
        e1 = emb_ref[1:2, :]
        table_ref[...] = ratio + b2_ref[...] + e0 + r * (e1 - e0)


def _counts_and_table(mask2d, emb_table, W1, b1, W2, b2):
    return pl.pallas_call(
        _tc_body,
        grid=(1,),
        in_specs=[
            pl.BlockSpec((N // 2, D), lambda i: (0, 0)),
            pl.BlockSpec((2, D), lambda i: (0, 0)),
            pl.BlockSpec((1, D), lambda i: (0, 0)),
            pl.BlockSpec((1, D), lambda i: (0, 0)),
            pl.BlockSpec((D, D), lambda i: (0, 0)),
            pl.BlockSpec((1, D), lambda i: (0, 0)),
        ],
        out_specs=[
            pl.BlockSpec((N // D, D), lambda i: (0, 0)),
            pl.BlockSpec((TPAD, D), lambda i: (0, 0)),
        ],
        out_shape=[
            jax.ShapeDtypeStruct((N // D, D), jnp.int32),
            jax.ShapeDtypeStruct((TPAD, D), jnp.float32),
        ],
    )(mask2d, emb_table, W1, b1, W2, b2)


NCHUNK = B_PER_W // CHUNK


def _sc_gather_body(table_hbm, counts_hbm, out_hbm, table_sp, idx_v,
                    rows, semg, semw):
    sid = lax.axis_index("s")
    wid = sid * NC + lax.axis_index("c")

    @pl.when(sid == 0)
    def _():
        pltpu.sync_copy(table_hbm, table_sp)

    pltpu.sync_copy(counts_hbm.at[pl.ds(wid * NCHUNK, NCHUNK)], idx_v)
    plsc.subcore_barrier()
    gathers = [
        pltpu.async_copy(table_sp.at[idx_v.at[k]], rows.at[k], semg)
        for k in range(NCHUNK)
    ]
    writes = []
    for k in range(NCHUNK):
        gathers[k].wait()
        writes.append(pltpu.async_copy(
            rows.at[k], out_hbm.at[pl.ds(wid * B_PER_W + k * CHUNK, CHUNK)],
            semw))
    for w in writes:
        w.wait()


@functools.cache
def _sc_gather():
    return pl.kernel(
        _sc_gather_body,
        out_type=jax.ShapeDtypeStruct((N, D), jnp.float32),
        mesh=plsc.VectorSubcoreMesh(core_axis_name="c", subcore_axis_name="s",
                                    num_cores=NC, num_subcores=NS),
        scratch_types=[
            pltpu.VMEM_SHARED((TPAD, D), jnp.float32),
            pltpu.VMEM((NCHUNK, CHUNK), jnp.int32),
            pltpu.VMEM((NCHUNK, CHUNK, D), jnp.float32),
            pltpu.SemaphoreType.DMA,
            pltpu.SemaphoreType.DMA,
        ],
    )


def kernel(mask, emb_table, W1, b1, W2, b2):
    Bsz, S, _ = mask.shape
    mask2d = mask.reshape(N // 2, D)
    counts, table = _counts_and_table(
        mask2d, emb_table, W1, b1.reshape(1, D), W2, b2.reshape(1, D))
    out = _sc_gather()(table, counts.reshape(N // CHUNK, CHUNK))
    return out.reshape(Bsz, S, D)

# --- scband reference (transcript-rebuilt; emitter-appended) ---
"""Pipeline reference for scband-mask-embedding-50981261803675 (READ-ONLY COPY).

The authoritative reference and input builder live on the scoring server;
editing this copy changes nothing except your own understanding.
"""

import jax, jax.numpy as jnp
import numpy as np

EMBED_DIM = 128
B, S, F = 4, 2048, 64

def setup_inputs(seed: int = 0) -> dict:
    key = jax.random.key(seed)
    k_mask, k_emb, k_w1, k_b1, k_w2, k_b2 = jax.random.split(key, 6)
    mask = jax.random.randint(k_mask, (B, S, F), 0, 2, dtype=jnp.int32)
    emb_table = jax.random.normal(k_emb, (2, EMBED_DIM), dtype=jnp.float32)
    # torch nn.Linear(1, D): weight [D, 1], bias [D]; store transposed for x @ W
    W1 = jax.random.normal(k_w1, (1, EMBED_DIM), dtype=jnp.float32) * (1.0 / np.sqrt(1.0))
    b1 = jax.random.normal(k_b1, (EMBED_DIM,), dtype=jnp.float32) * 0.01
    W2 = jax.random.normal(k_w2, (EMBED_DIM, EMBED_DIM), dtype=jnp.float32) * (1.0 / np.sqrt(EMBED_DIM))
    b2 = jax.random.normal(k_b2, (EMBED_DIM,), dtype=jnp.float32) * 0.01
    return {"mask": mask, "emb_table": emb_table, "W1": W1, "b1": b1, "W2": W2, "b2": b2}

def reference(mask, emb_table, W1, b1, W2, b2):
    # mask: [B, S, F] in {0,1}
    mask_long = mask.astype(jnp.int32)
    # embedding gather: [B, S, F, D]
    mask_embed = jnp.take(emb_table, mask_long, axis=0)
    # mean over feature axis (dim=2): [B, S, D]
    mask_embed = mask_embed.mean(axis=2)
    # missing ratio: [B, S, 1]
    missing_ratio = mask.astype(jnp.float32).mean(axis=-1, keepdims=True)
    # ratio MLP: Linear -> SiLU -> Linear
    h = missing_ratio @ W1 + b1
    h = jax.nn.silu(h)
    ratio_embed = h @ W2 + b2
    return mask_embed + ratio_embed

if __name__ == "__main__":
    import jax
    _d = setup_inputs()
    print(jax.jit(kernel)(*tuple(_d.values())))

</pallas_src>

<mosaic_0001>
#map = affine_map<(d0, d1) -> (0, 0)>
module attributes {stable_mosaic.version = 14 : i64} {
  func.func @_sc_gather_body(%arg0: i32, %arg1: i32, %arg2: memref<72x128xf32, #tpu.memory_space<hbm>>, %arg3: memref<64x128xi32, #tpu.memory_space<hbm>>, %arg4: memref<8192x128xf32, #tpu.memory_space<hbm>>, %arg5: memref<72x128xf32, #tpu.memory_space<vmem_shared>>, %arg6: memref<2x128xi32, #tpu.memory_space<vmem>>, %arg7: memref<2x128x128xf32, #tpu.memory_space<vmem>>, %arg8: memref<!tpu.dma_semaphore, #tpu.memory_space<semaphore_mem>>, %arg9: memref<!tpu.dma_semaphore, #tpu.memory_space<semaphore_mem>>) attributes {dimension_semantics = [#tpu.dimension_semantics<core_parallel>, #tpu.dimension_semantics<subcore_parallel>], iteration_bounds = array<i64: 2, 16>, scalar_prefetch = 0 : i64, scratch_operands = 5 : i64, tpu.core_type = #tpu.core_type<sc_vector_subcore>, window_params = [{transform_indices = #map}, {transform_indices = #map}, {transform_indices = #map}]} {
    %mul3A = arith.constant 2 : i32
    %mul3A_0 = arith.muli %arg1, %mul3A : i32
    %add3A = arith.addi %mul3A_0, %arg0 : i32
    %eq3A = arith.constant 0 : i32
    %eq3A_1 = arith.cmpi eq, %arg1, %eq3A : i32
    %convert_element_type3A = arith.extui %eq3A_1 : i1 to i32
    %cond3A = arith.constant 0 : i32
    %cond3A_2 = arith.cmpi ne, %convert_element_type3A, %cond3A : i32
    scf.if %cond3A_2 {
      "tpu.region"() ({
        %run_scoped3A = tpu.sem_alloc : memref<!tpu.dma_semaphore, #tpu.memory_space<semaphore_mem>>
        tpu.enqueue_dma source(%arg2 : memref<72x128xf32, #tpu.memory_space<hbm>>) target(%arg5 : memref<72x128xf32, #tpu.memory_space<vmem_shared>>) target_semaphore(%run_scoped3A : memref<!tpu.dma_semaphore, #tpu.memory_space<semaphore_mem>>)
        tpu.wait_dma2 semaphore(%run_scoped3A : memref<!tpu.dma_semaphore, #tpu.memory_space<semaphore_mem>>) src(%arg2 : memref<72x128xf32, #tpu.memory_space<hbm>>) dst(%arg5 : memref<72x128xf32, #tpu.memory_space<vmem_shared>>)
        tpu.yield
      }) : () -> ()
    } else {
    }
    %mul3A_3 = arith.constant 2 : i32
    %mul3A_4 = arith.muli %add3A, %mul3A_3 : i32
    "tpu.region"() ({
      %run_scoped3A = tpu.sem_alloc : memref<!tpu.dma_semaphore, #tpu.memory_space<semaphore_mem>>
      %dma_start3A_111 = arith.constant 0 : i32
      %dma_start3A_112 = tpu.memref_slice %arg3[%mul3A_4, %dma_start3A_111] : memref<64x128xi32, #tpu.memory_space<hbm>> -> memref<2x128xi32, #tpu.memory_space<hbm>>
      %dma_start3A_113 = arith.constant 0 : i32
      %dma_start3A_114 = tpu.memref_slice %arg3[%mul3A_4, %dma_start3A_113] : memref<64x128xi32, #tpu.memory_space<hbm>> -> memref<2x128xi32, #tpu.memory_space<hbm>>
      tpu.enqueue_dma source(%dma_start3A_114 : memref<2x128xi32, #tpu.memory_space<hbm>>) target(%arg6 : memref<2x128xi32, #tpu.memory_space<vmem>>) target_semaphore(%run_scoped3A : memref<!tpu.dma_semaphore, #tpu.memory_space<semaphore_mem>>)
      %dma_wait3A_115 = arith.constant 0 : i32
      %dma_wait3A_116 = tpu.memref_slice %arg3[%mul3A_4, %dma_wait3A_115] : memref<64x128xi32, #tpu.memory_space<hbm>> -> memref<2x128xi32, #tpu.memory_space<hbm>>
      %dma_wait3A_117 = arith.constant 0 : i32
      %dma_wait3A_118 = tpu.memref_slice %arg3[%mul3A_4, %dma_wait3A_117] : memref<64x128xi32, #tpu.memory_space<hbm>> -> memref<2x128xi32, #tpu.memory_space<hbm>>
      tpu.wait_dma2 semaphore(%run_scoped3A : memref<!tpu.dma_semaphore, #tpu.memory_space<semaphore_mem>>) src(%dma_wait3A_118 : memref<2x128xi32, #tpu.memory_space<hbm>>) dst(%arg6 : memref<2x128xi32, #tpu.memory_space<vmem>>)
      tpu.yield
    }) : () -> ()
    %barrier3A = arith.constant 0 : index
    tpu.barrier barrier_id(%barrier3A)
    %dma_start3A = arith.constant 0 : i32
    %dma_start3A_5 = arith.constant 0 : i32
    %dma_start3A_6 = arith.constant 0 : i32
    %dma_start3A_7 = arith.constant 0 : i32
    %dma_start3A_8 = tpu.memref_slice %arg7[%dma_start3A_5, %dma_start3A_6, %dma_start3A_7] : memref<2x128x128xf32, #tpu.memory_space<vmem>> -> memref<1x128x128xf32, #tpu.memory_space<vmem>>
    %dma_start3A_9 = tpu.memref_squeeze %dma_start3A_8 : memref<1x128x128xf32, #tpu.memory_space<vmem>> -> memref<128x128xf32, #tpu.memory_space<vmem>>
    %dma_start3A_10 = arith.constant 0 : i32
    %dma_start3A_11 = tpu.memref_slice %arg6[%dma_start3A, %dma_start3A_10] : memref<2x128xi32, #tpu.memory_space<vmem>> -> memref<1x128xi32, #tpu.memory_space<vmem>>
    %dma_start3A_12 = tpu.memref_squeeze %dma_start3A_11 : memref<1x128xi32, #tpu.memory_space<vmem>> -> memref<128xi32, #tpu.memory_space<vmem>>
    %dma_start3A_13 = arith.constant 0 : i32
    %dma_start3A_14 = arith.constant 0 : i32
    %dma_start3A_15 = tpu.memref_slice %arg5[%dma_start3A_13, %dma_start3A_14] : memref<72x128xf32, #tpu.memory_space<vmem_shared>> -> memref<72x128xf32, #tpu.memory_space<vmem_shared>>
    tpu.enqueue_indirect_dma source(%dma_start3A_15 : memref<72x128xf32, #tpu.memory_space<vmem_shared>>) target(%dma_start3A_9 : memref<128x128xf32, #tpu.memory_space<vmem>>) offsets(%dma_start3A_12 : memref<128xi32, #tpu.memory_space<vmem>>) semaphore(%arg8 : memref<!tpu.dma_semaphore, #tpu.memory_space<semaphore_mem>>)
    %dma_start3A_16 = arith.constant 1 : i32
    %dma_start3A_17 = arith.constant 1 : i32
    %dma_start3A_18 = arith.constant 0 : i32
    %dma_start3A_19 = arith.constant 0 : i32
    %dma_start3A_20 = tpu.memref_slice %arg7[%dma_start3A_17, %dma_start3A_18, %dma_start3A_19] : memref<2x128x128xf32, #tpu.memory_space<vmem>> -> memref<1x128x128xf32, #tpu.memory_space<vmem>>
    %dma_start3A_21 = tpu.memref_squeeze %dma_start3A_20 : memref<1x128x128xf32, #tpu.memory_space<vmem>> -> memref<128x128xf32, #tpu.memory_space<vmem>>
    %dma_start3A_22 = arith.constant 0 : i32
    %dma_start3A_23 = tpu.memref_slice %arg6[%dma_start3A_16, %dma_start3A_22] : memref<2x128xi32, #tpu.memory_space<vmem>> -> memref<1x128xi32, #tpu.memory_space<vmem>>
    %dma_start3A_24 = tpu.memref_squeeze %dma_start3A_23 : memref<1x128xi32, #tpu.memory_space<vmem>> -> memref<128xi32, #tpu.memory_space<vmem>>
    %dma_start3A_25 = arith.constant 0 : i32
    %dma_start3A_26 = arith.constant 0 : i32
    %dma_start3A_27 = tpu.memref_slice %arg5[%dma_start3A_25, %dma_start3A_26] : memref<72x128xf32, #tpu.memory_space<vmem_shared>> -> memref<72x128xf32, #tpu.memory_space<vmem_shared>>
    tpu.enqueue_indirect_dma source(%dma_start3A_27 : memref<72x128xf32, #tpu.memory_space<vmem_shared>>) target(%dma_start3A_21 : memref<128x128xf32, #tpu.memory_space<vmem>>) offsets(%dma_start3A_24 : memref<128xi32, #tpu.memory_space<vmem>>) semaphore(%arg8 : memref<!tpu.dma_semaphore, #tpu.memory_space<semaphore_mem>>)
    %dma_wait3A = arith.constant 0 : i32
    %dma_wait3A_28 = arith.constant 0 : i32
    %dma_wait3A_29 = arith.constant 0 : i32
    %dma_wait3A_30 = arith.constant 0 : i32
    %dma_wait3A_31 = tpu.memref_slice %arg7[%dma_wait3A_28, %dma_wait3A_29, %dma_wait3A_30] : memref<2x128x128xf32, #tpu.memory_space<vmem>> -> memref<1x128x128xf32, #tpu.memory_space<vmem>>
    %dma_wait3A_32 = tpu.memref_squeeze %dma_wait3A_31 : memref<1x128x128xf32, #tpu.memory_space<vmem>> -> memref<128x128xf32, #tpu.memory_space<vmem>>
    %dma_wait3A_33 = arith.constant 0 : i32
    %dma_wait3A_34 = tpu.memref_slice %arg6[%dma_wait3A, %dma_wait3A_33] : memref<2x128xi32, #tpu.memory_space<vmem>> -> memref<1x128xi32, #tpu.memory_space<vmem>>
    %dma_wait3A_35 = tpu.memref_squeeze %dma_wait3A_34 : memref<1x128xi32, #tpu.memory_space<vmem>> -> memref<128xi32, #tpu.memory_space<vmem>>
    %dma_wait3A_36 = arith.constant 0 : i32
    %dma_wait3A_37 = arith.constant 0 : i32
    %dma_wait3A_38 = tpu.memref_slice %arg5[%dma_wait3A_36, %dma_wait3A_37] : memref<72x128xf32, #tpu.memory_space<vmem_shared>> -> memref<72x128xf32, #tpu.memory_space<vmem_shared>>
    tpu.wait_indirect_dma semaphore(%arg8 : memref<!tpu.dma_semaphore, #tpu.memory_space<semaphore_mem>>) src(%dma_wait3A_38 : memref<72x128xf32, #tpu.memory_space<vmem_shared>>) dst(%dma_wait3A_32 : memref<128x128xf32, #tpu.memory_space<vmem>>)
    %mul3A_39 = arith.constant 256 : i32
    %mul3A_40 = arith.muli %add3A, %mul3A_39 : i32
    %add3A_41 = arith.constant 0 : i32
    %add3A_42 = arith.addi %mul3A_40, %add3A_41 : i32
    %dma_start3A_43 = arith.constant 0 : i32
    %dma_start3A_44 = arith.constant 0 : i32
    %dma_start3A_45 = arith.constant 0 : i32
    %dma_start3A_46 = tpu.memref_slice %arg7[%dma_start3A_43, %dma_start3A_44, %dma_start3A_45] : memref<2x128x128xf32, #tpu.memory_space<vmem>> -> memref<1x128x128xf32, #tpu.memory_space<vmem>>
    %dma_start3A_47 = tpu.memref_squeeze %dma_start3A_46 : memref<1x128x128xf32, #tpu.memory_space<vmem>> -> memref<128x128xf32, #tpu.memory_space<vmem>>
    %dma_start3A_48 = arith.constant 0 : i32
    %dma_start3A_49 = tpu.memref_slice %arg4[%add3A_42, %dma_start3A_48] : memref<8192x128xf32, #tpu.memory_space<hbm>> -> memref<128x128xf32, #tpu.memory_space<hbm>>
    %dma_start3A_50 = arith.constant 0 : i32
    %dma_start3A_51 = tpu.memref_slice %arg4[%add3A_42, %dma_start3A_50] : memref<8192x128xf32, #tpu.memory_space<hbm>> -> memref<128x128xf32, #tpu.memory_space<hbm>>
    %dma_start3A_52 = arith.constant 0 : i32
    %dma_start3A_53 = arith.constant 0 : i32
    %dma_start3A_54 = tpu.memref_slice %arg7[%dma_start3A_43, %dma_start3A_52, %dma_start3A_53] : memref<2x128x128xf32, #tpu.memory_space<vmem>> -> memref<1x128x128xf32, #tpu.memory_space<vmem>>
    %dma_start3A_55 = tpu.memref_squeeze %dma_start3A_54 : memref<1x128x128xf32, #tpu.memory_space<vmem>> -> memref<128x128xf32, #tpu.memory_space<vmem>>
    tpu.enqueue_dma source(%dma_start3A_55 : memref<128x128xf32, #tpu.memory_space<vmem>>) target(%dma_start3A_51 : memref<128x128xf32, #tpu.memory_space<hbm>>) target_semaphore(%arg9 : memref<!tpu.dma_semaphore, #tpu.memory_space<semaphore_mem>>)
    %dma_wait3A_56 = arith.constant 1 : i32
    %dma_wait3A_57 = arith.constant 1 : i32
    %dma_wait3A_58 = arith.constant 0 : i32
    %dma_wait3A_59 = arith.constant 0 : i32
    %dma_wait3A_60 = tpu.memref_slice %arg7[%dma_wait3A_57, %dma_wait3A_58, %dma_wait3A_59] : memref<2x128x128xf32, #tpu.memory_space<vmem>> -> memref<1x128x128xf32, #tpu.memory_space<vmem>>
    %dma_wait3A_61 = tpu.memref_squeeze %dma_wait3A_60 : memref<1x128x128xf32, #tpu.memory_space<vmem>> -> memref<128x128xf32, #tpu.memory_space<vmem>>
    %dma_wait3A_62 = arith.constant 0 : i32
    %dma_wait3A_63 = tpu.memref_slice %arg6[%dma_wait3A_56, %dma_wait3A_62] : memref<2x128xi32, #tpu.memory_space<vmem>> -> memref<1x128xi32, #tpu.memory_space<vmem>>
    %dma_wait3A_64 = tpu.memref_squeeze %dma_wait3A_63 : memref<1x128xi32, #tpu.memory_space<vmem>> -> memref<128xi32, #tpu.memory_space<vmem>>
    %dma_wait3A_65 = arith.constant 0 : i32
    %dma_wait3A_66 = arith.constant 0 : i32
    %dma_wait3A_67 = tpu.memref_slice %arg5[%dma_wait3A_65, %dma_wait3A_66] : memref<72x128xf32, #tpu.memory_space<vmem_shared>> -> memref<72x128xf32, #tpu.memory_space<vmem_shared>>
    tpu.wait_indirect_dma semaphore(%arg8 : memref<!tpu.dma_semaphore, #tpu.memory_space<semaphore_mem>>) src(%dma_wait3A_67 : memref<72x128xf32, #tpu.memory_space<vmem_shared>>) dst(%dma_wait3A_61 : memref<128x128xf32, #tpu.memory_space<vmem>>)
    %mul3A_68 = arith.constant 256 : i32
    %mul3A_69 = arith.muli %add3A, %mul3A_68 : i32
    %add3A_70 = arith.constant 128 : i32
    %add3A_71 = arith.addi %mul3A_69, %add3A_70 : i32
    %dma_start3A_72 = arith.constant 1 : i32
    %dma_start3A_73 = arith.constant 0 : i32
    %dma_start3A_74 = arith.constant 0 : i32
    %dma_start3A_75 = tpu.memref_slice %arg7[%dma_start3A_72, %dma_start3A_73, %dma_start3A_74] : memref<2x128x128xf32, #tpu.memory_space<vmem>> -> memref<1x128x128xf32, #tpu.memory_space<vmem>>
    %dma_start3A_76 = tpu.memref_squeeze %dma_start3A_75 : memref<1x128x128xf32, #tpu.memory_space<vmem>> -> memref<128x128xf32, #tpu.memory_space<vmem>>
    %dma_start3A_77 = arith.constant 0 : i32
    %dma_start3A_78 = tpu.memref_slice %arg4[%add3A_71, %dma_start3A_77] : memref<8192x128xf32, #tpu.memory_space<hbm>> -> memref<128x128xf32, #tpu.memory_space<hbm>>
    %dma_start3A_79 = arith.constant 0 : i32
    %dma_start3A_80 = tpu.memref_slice %arg4[%add3A_71, %dma_start3A_79] : memref<8192x128xf32, #tpu.memory_space<hbm>> -> memref<128x128xf32, #tpu.memory_space<hbm>>
    %dma_start3A_81 = arith.constant 0 : i32
    %dma_start3A_82 = arith.constant 0 : i32
    %dma_start3A_83 = tpu.memref_slice %arg7[%dma_start3A_72, %dma_start3A_81, %dma_start3A_82] : memref<2x128x128xf32, #tpu.memory_space<vmem>> -> memref<1x128x128xf32, #tpu.memory_space<vmem>>
    %dma_start3A_84 = tpu.memref_squeeze %dma_start3A_83 : memref<1x128x128xf32, #tpu.memory_space<vmem>> -> memref<128x128xf32, #tpu.memory_space<vmem>>
    tpu.enqueue_dma source(%dma_start3A_84 : memref<128x128xf32, #tpu.memory_space<vmem>>) target(%dma_start3A_80 : memref<128x128xf32, #tpu.memory_space<hbm>>) target_semaphore(%arg9 : memref<!tpu.dma_semaphore, #tpu.memory_space<semaphore_mem>>)
    %dma_wait3A_85 = arith.constant 0 : i32
    %dma_wait3A_86 = arith.constant 0 : i32
    %dma_wait3A_87 = arith.constant 0 : i32
    %dma_wait3A_88 = tpu.memref_slice %arg7[%dma_wait3A_85, %dma_wait3A_86, %dma_wait3A_87] : memref<2x128x128xf32, #tpu.memory_space<vmem>> -> memref<1x128x128xf32, #tpu.memory_space<vmem>>
    %dma_wait3A_89 = tpu.memref_squeeze %dma_wait3A_88 : memref<1x128x128xf32, #tpu.memory_space<vmem>> -> memref<128x128xf32, #tpu.memory_space<vmem>>
    %dma_wait3A_90 = arith.constant 0 : i32
    %dma_wait3A_91 = tpu.memref_slice %arg4[%add3A_42, %dma_wait3A_90] : memref<8192x128xf32, #tpu.memory_space<hbm>> -> memref<128x128xf32, #tpu.memory_space<hbm>>
    %dma_wait3A_92 = arith.constant 0 : i32
    %dma_wait3A_93 = tpu.memref_slice %arg4[%add3A_42, %dma_wait3A_92] : memref<8192x128xf32, #tpu.memory_space<hbm>> -> memref<128x128xf32, #tpu.memory_space<hbm>>
    %dma_wait3A_94 = arith.constant 0 : i32
    %dma_wait3A_95 = arith.constant 0 : i32
    %dma_wait3A_96 = tpu.memref_slice %arg7[%dma_wait3A_85, %dma_wait3A_94, %dma_wait3A_95] : memref<2x128x128xf32, #tpu.memory_space<vmem>> -> memref<1x128x128xf32, #tpu.memory_space<vmem>>
    %dma_wait3A_97 = tpu.memref_squeeze %dma_wait3A_96 : memref<1x128x128xf32, #tpu.memory_space<vmem>> -> memref<128x128xf32, #tpu.memory_space<vmem>>
    tpu.wait_dma2 semaphore(%arg9 : memref<!tpu.dma_semaphore, #tpu.memory_space<semaphore_mem>>) src(%dma_wait3A_97 : memref<128x128xf32, #tpu.memory_space<vmem>>) dst(%dma_wait3A_93 : memref<128x128xf32, #tpu.memory_space<hbm>>)
    %dma_wait3A_98 = arith.constant 1 : i32
    %dma_wait3A_99 = arith.constant 0 : i32
    %dma_wait3A_100 = arith.constant 0 : i32
    %dma_wait3A_101 = tpu.memref_slice %arg7[%dma_wait3A_98, %dma_wait3A_99, %dma_wait3A_100] : memref<2x128x128xf32, #tpu.memory_space<vmem>> -> memref<1x128x128xf32, #tpu.memory_space<vmem>>
    %dma_wait3A_102 = tpu.memref_squeeze %dma_wait3A_101 : memref<1x128x128xf32, #tpu.memory_space<vmem>> -> memref<128x128xf32, #tpu.memory_space<vmem>>
    %dma_wait3A_103 = arith.constant 0 : i32
    %dma_wait3A_104 = tpu.memref_slice %arg4[%add3A_71, %dma_wait3A_103] : memref<8192x128xf32, #tpu.memory_space<hbm>> -> memref<128x128xf32, #tpu.memory_space<hbm>>
    %dma_wait3A_105 = arith.constant 0 : i32
    %dma_wait3A_106 = tpu.memref_slice %arg4[%add3A_71, %dma_wait3A_105] : memref<8192x128xf32, #tpu.memory_space<hbm>> -> memref<128x128xf32, #tpu.memory_space<hbm>>
    %dma_wait3A_107 = arith.constant 0 : i32
    %dma_wait3A_108 = arith.constant 0 : i32
    %dma_wait3A_109 = tpu.memref_slice %arg7[%dma_wait3A_98, %dma_wait3A_107, %dma_wait3A_108] : memref<2x128x128xf32, #tpu.memory_space<vmem>> -> memref<1x128x128xf32, #tpu.memory_space<vmem>>
    %dma_wait3A_110 = tpu.memref_squeeze %dma_wait3A_109 : memref<1x128x128xf32, #tpu.memory_space<vmem>> -> memref<128x128xf32, #tpu.memory_space<vmem>>
    tpu.wait_dma2 semaphore(%arg9 : memref<!tpu.dma_semaphore, #tpu.memory_space<semaphore_mem>>) src(%dma_wait3A_110 : memref<128x128xf32, #tpu.memory_space<vmem>>) dst(%dma_wait3A_106 : memref<128x128xf32, #tpu.memory_space<hbm>>)
    return
  }
}

module attributes {stable_mosaic.version = 14 : i64} {
  func.func @_tc_body(%arg0: i32, %arg1: memref<4096x128xi32, #tpu.memory_space<vmem>>, %arg2: memref<2x128xf32, #tpu.memory_space<vmem>>, %arg3: memref<1x128xf32, #tpu.memory_space<vmem>>, %arg4: memref<1x128xf32, #tpu.memory_space<vmem>>, %arg5: memref<128x128xf32, #tpu.memory_space<vmem>>, %arg6: memref<1x128xf32, #tpu.memory_space<vmem>>, %arg7: memref<64x128xi32, #tpu.memory_space<vmem>>, %arg8: memref<72x128xf32, #tpu.memory_space<vmem>>) attributes {dimension_semantics = [#tpu.dimension_semantics<arbitrary>], iteration_bounds = array<i64: 1>, scalar_prefetch = 0 : i64, scratch_operands = 0 : i64, tpu.core_type = #tpu.core_type<tc>, window_params = [{pipeline_mode = #tpu.pipeline_mode<synchronous>, transform_indices = @transform_0, window_bounds = array<i64: 4096, 128>}, {pipeline_mode = #tpu.pipeline_mode<synchronous>, transform_indices = @transform_1, window_bounds = array<i64: 2, 128>}, {pipeline_mode = #tpu.pipeline_mode<synchronous>, transform_indices = @transform_2, window_bounds = array<i64: 1, 128>}, {pipeline_mode = #tpu.pipeline_mode<synchronous>, transform_indices = @transform_3, window_bounds = array<i64: 1, 128>}, {pipeline_mode = #tpu.pipeline_mode<synchronous>, transform_indices = @transform_4, window_bounds = array<i64: 128, 128>}, {pipeline_mode = #tpu.pipeline_mode<synchronous>, transform_indices = @transform_5, window_bounds = array<i64: 1, 128>}, {pipeline_mode = #tpu.pipeline_mode<synchronous>, transform_indices = @transform_6, window_bounds = array<i64: 64, 128>}, {pipeline_mode = #tpu.pipeline_mode<synchronous>, transform_indices = @transform_7, window_bounds = array<i64: 72, 128>}]} {
    %get3A = arith.constant 0 : index
    %get3A_0 = arith.constant 0 : index
    %get3A_1 = vector.load %arg1[%get3A, %get3A_0] : memref<4096x128xi32, #tpu.memory_space<vmem>>, vector<4096x128xi32>
    %iota3A = tpu.iota {dimensions = array<i32: 0>} : vector<128x128xi32>
    %iota3A_2 = tpu.iota {dimensions = array<i32: 1>} : vector<128x128xi32>
    %lt3A = arith.constant 64 : i32
    %lt3A_3 = vector.broadcast %lt3A : i32 to vector<128x128xi32>
    %lt3A_4 = arith.cmpi slt, %iota3A, %lt3A_3 : vector<128x128xi32>
    %lt3A_5 = arith.constant 64 : i32
    %lt3A_6 = vector.broadcast %lt3A_5 : i32 to vector<128x128xi32>
    %lt3A_7 = arith.cmpi slt, %iota3A_2, %lt3A_6 : vector<128x128xi32>
    %eq3A = arith.xori %lt3A_4, %lt3A_7 : vector<128x128xi1>
    %eq3A_8 = arith.constant dense<true> : vector<128x128xi1>
    %eq3A_9 = arith.xori %eq3A, %eq3A_8 : vector<128x128xi1>
    %convert_element_type3A = arith.extui %eq3A_9 : vector<128x128xi1> to vector<128x128xi32>
    %convert_element_type3A_10 = arith.sitofp %convert_element_type3A : vector<128x128xi32> to vector<128x128xf32>
    %convert_element_type3A_11 = arith.sitofp %get3A_1 : vector<4096x128xi32> to vector<4096x128xf32>
    %dot_general3A = arith.constant dense<0.000000e+00> : vector<4096x128xf32>
    %dot_general3A_12 = tpu.matmul %convert_element_type3A_11, %convert_element_type3A_10, %dot_general3A {dimension_numbers = #tpu.dot_dimension_numbers<[1], [0], [0], [1], [0, 0, 1, 1], [], []>, transpose_lhs_hint = false} : vector<4096x128xf32>, vector<128x128xf32>, vector<4096x128xf32> -> vector<4096x128xf32>
    %slice3A = vector.extract_strided_slice %dot_general3A_12 {offsets = [0, 64], sizes = [4096, 64], strides = [1, 1]} : vector<4096x128xf32> to vector<4096x64xf32>
    %slice3A_13 = vector.extract_strided_slice %dot_general3A_12 {offsets = [0, 0], sizes = [4096, 64], strides = [1, 1]} : vector<4096x128xf32> to vector<4096x64xf32>
    %concatenate3A = tpu.concatenate %slice3A, %slice3A_13 in 1 : vector<4096x64xf32>, vector<4096x64xf32> -> vector<4096x128xf32>
    %reshape3A = vector.shape_cast %dot_general3A_12 : vector<4096x128xf32> to vector<64x64x128xf32>
    %reshape3A_14 = vector.shape_cast %concatenate3A : vector<4096x128xf32> to vector<64x64x128xf32>
    %iota3A_15 = tpu.iota {dimensions = array<i32: 1>} : vector<64x64x128xi32>
    %iota3A_16 = tpu.iota {dimensions = array<i32: 2>} : vector<64x64x128xi32>
    %jit3A = arith.constant 2 : i32
    %div3A = vector.broadcast %jit3A : i32 to vector<64x64x128xi32>
    %div3A_17 = arith.divsi %iota3A_16, %div3A : vector<64x64x128xi32>
    %sign3A = arith.constant 0 : i32
    %sign3A_18 = vector.broadcast %sign3A : i32 to vector<64x64x128xi32>
    %sign3A_19 = arith.cmpi sgt, %iota3A_16, %sign3A_18 : vector<64x64x128xi32>
    %sign3A_20 = arith.extui %sign3A_19 : vector<64x64x128xi1> to vector<64x64x128xi32>
    %sign3A_21 = arith.constant 0 : i32
    %sign3A_22 = vector.broadcast %sign3A_21 : i32 to vector<64x64x128xi32>
    %sign3A_23 = arith.cmpi slt, %iota3A_16, %sign3A_22 : vector<64x64x128xi32>
    %sign3A_24 = arith.extui %sign3A_23 : vector<64x64x128xi1> to vector<64x64x128xi32>
    %sign3A_25 = arith.subi %sign3A_20, %sign3A_24 : vector<64x64x128xi32>
    %sign3A_26 = arith.constant 0 : i32
    %sign3A_27 = arith.cmpi sgt, %jit3A, %sign3A_26 : i32
    %sign3A_28 = arith.extui %sign3A_27 : i1 to i32
    %sign3A_29 = arith.constant 0 : i32
    %sign3A_30 = arith.cmpi slt, %jit3A, %sign3A_29 : i32
    %sign3A_31 = arith.extui %sign3A_30 : i1 to i32
    %sign3A_32 = arith.subi %sign3A_28, %sign3A_31 : i32
    %ne3A = vector.broadcast %sign3A_32 : i32 to vector<64x64x128xi32>
    %ne3A_33 = arith.cmpi ne, %sign3A_25, %ne3A : vector<64x64x128xi32>
    %rem3A = vector.broadcast %jit3A : i32 to vector<64x64x128xi32>
    %rem3A_34 = arith.remsi %iota3A_16, %rem3A : vector<64x64x128xi32>
    %ne3A_35 = arith.constant 0 : i32
    %ne3A_36 = vector.broadcast %ne3A_35 : i32 to vector<64x64x128xi32>
    %ne3A_37 = arith.cmpi ne, %rem3A_34, %ne3A_36 : vector<64x64x128xi32>
    %and3A = arith.andi %ne3A_33, %ne3A_37 : vector<64x64x128xi1>
    %sub3A = arith.constant 1 : i32
    %sub3A_38 = vector.broadcast %sub3A : i32 to vector<64x64x128xi32>
    %sub3A_39 = arith.subi %div3A_17, %sub3A_38 : vector<64x64x128xi32>
    %select_n3A = arith.select %and3A, %sub3A_39, %div3A_17 : vector<64x64x128xi1>, vector<64x64x128xi32>
    %eq3A_40 = arith.cmpi eq, %iota3A_15, %select_n3A : vector<64x64x128xi32>
    %jit3A_41 = arith.constant 2 : i32
    %eq3A_42 = arith.constant 0 : i32
    %eq3A_43 = arith.cmpi eq, %jit3A_41, %eq3A_42 : i32
    %jit3A_44 = arith.constant 1 : i32
    %select_n3A_45 = arith.select %eq3A_43, %jit3A_44, %jit3A_41 : i32
    %rem3A_46 = vector.broadcast %select_n3A_45 : i32 to vector<64x64x128xi32>
    %rem3A_47 = arith.remsi %iota3A_16, %rem3A_46 : vector<64x64x128xi32>
    %ne3A_48 = arith.constant 0 : i32
    %ne3A_49 = vector.broadcast %ne3A_48 : i32 to vector<64x64x128xi32>
    %ne3A_50 = arith.cmpi ne, %rem3A_47, %ne3A_49 : vector<64x64x128xi32>
    %lt3A_51 = arith.constant 0 : i32
    %lt3A_52 = vector.broadcast %lt3A_51 : i32 to vector<64x64x128xi32>
    %lt3A_53 = arith.cmpi slt, %rem3A_47, %lt3A_52 : vector<64x64x128xi32>
    %lt3A_54 = arith.constant 0 : i32
    %lt3A_55 = arith.cmpi slt, %select_n3A_45, %lt3A_54 : i32
    %ne3A_56 = vector.broadcast %lt3A_55 : i1 to vector<64x64x128xi1>
    %ne3A_57 = vector.broadcast %ne3A_56 : vector<64x64x128xi1> to vector<64x64x128xi1>
    %ne3A_58 = arith.xori %lt3A_53, %ne3A_57 : vector<64x64x128xi1>
    %and3A_59 = arith.andi %ne3A_58, %ne3A_50 : vector<64x64x128xi1>
    %add3A = vector.broadcast %select_n3A_45 : i32 to vector<64x64x128xi32>
    %add3A_60 = arith.addi %rem3A_47, %add3A : vector<64x64x128xi32>
    %select_n3A_61 = arith.select %and3A_59, %add3A_60, %rem3A_47 : vector<64x64x128xi1>, vector<64x64x128xi32>
    %jit3A_62 = arith.constant 64 : i32
    %div3A_63 = vector.broadcast %jit3A_62 : i32 to vector<64x64x128xi32>
    %div3A_64 = arith.divsi %iota3A_16, %div3A_63 : vector<64x64x128xi32>
    %sign3A_65 = arith.constant 0 : i32
    %sign3A_66 = vector.broadcast %sign3A_65 : i32 to vector<64x64x128xi32>
    %sign3A_67 = arith.cmpi sgt, %iota3A_16, %sign3A_66 : vector<64x64x128xi32>
    %sign3A_68 = arith.extui %sign3A_67 : vector<64x64x128xi1> to vector<64x64x128xi32>
    %sign3A_69 = arith.constant 0 : i32
    %sign3A_70 = vector.broadcast %sign3A_69 : i32 to vector<64x64x128xi32>
    %sign3A_71 = arith.cmpi slt, %iota3A_16, %sign3A_70 : vector<64x64x128xi32>
    %sign3A_72 = arith.extui %sign3A_71 : vector<64x64x128xi1> to vector<64x64x128xi32>
    %sign3A_73 = arith.subi %sign3A_68, %sign3A_72 : vector<64x64x128xi32>
    %sign3A_74 = arith.constant 0 : i32
    %sign3A_75 = arith.cmpi sgt, %jit3A_62, %sign3A_74 : i32
    %sign3A_76 = arith.extui %sign3A_75 : i1 to i32
    %sign3A_77 = arith.constant 0 : i32
    %sign3A_78 = arith.cmpi slt, %jit3A_62, %sign3A_77 : i32
    %sign3A_79 = arith.extui %sign3A_78 : i1 to i32
    %sign3A_80 = arith.subi %sign3A_76, %sign3A_79 : i32
    %ne3A_81 = vector.broadcast %sign3A_80 : i32 to vector<64x64x128xi32>
    %ne3A_82 = arith.cmpi ne, %sign3A_73, %ne3A_81 : vector<64x64x128xi32>
    %rem3A_83 = vector.broadcast %jit3A_62 : i32 to vector<64x64x128xi32>
    %rem3A_84 = arith.remsi %iota3A_16, %rem3A_83 : vector<64x64x128xi32>
    %ne3A_85 = arith.constant 0 : i32
    %ne3A_86 = vector.broadcast %ne3A_85 : i32 to vector<64x64x128xi32>
    %ne3A_87 = arith.cmpi ne, %rem3A_84, %ne3A_86 : vector<64x64x128xi32>
    %and3A_88 = arith.andi %ne3A_82, %ne3A_87 : vector<64x64x128xi1>
    %sub3A_89 = arith.constant 1 : i32
    %sub3A_90 = vector.broadcast %sub3A_89 : i32 to vector<64x64x128xi32>
    %sub3A_91 = arith.subi %div3A_64, %sub3A_90 : vector<64x64x128xi32>
    %select_n3A_92 = arith.select %and3A_88, %sub3A_91, %div3A_64 : vector<64x64x128xi1>, vector<64x64x128xi32>
    %eq3A_93 = arith.cmpi eq, %select_n3A_61, %select_n3A_92 : vector<64x64x128xi32>
    %and3A_94 = arith.andi %eq3A_40, %eq3A_93 : vector<64x64x128xi1>
    %convert_element_type3A_95 = arith.extui %and3A_94 : vector<64x64x128xi1> to vector<64x64x128xi32>
    %convert_element_type3A_96 = arith.sitofp %convert_element_type3A_95 : vector<64x64x128xi32> to vector<64x64x128xf32>
    %not3A = arith.constant dense<true> : vector<64x64x128xi1>
    %not3A_97 = arith.xori %eq3A_93, %not3A : vector<64x64x128xi1>
    %and3A_98 = arith.andi %eq3A_40, %not3A_97 : vector<64x64x128xi1>
    %convert_element_type3A_99 = arith.extui %and3A_98 : vector<64x64x128xi1> to vector<64x64x128xi32>
    %convert_element_type3A_100 = arith.sitofp %convert_element_type3A_99 : vector<64x64x128xi32> to vector<64x64x128xf32>
    %mul3A = arith.mulf %reshape3A, %convert_element_type3A_96 : vector<64x64x128xf32>
    %mul3A_101 = arith.mulf %reshape3A_14, %convert_element_type3A_100 : vector<64x64x128xf32>
    %add3A_102 = arith.addf %mul3A, %mul3A_101 : vector<64x64x128xf32>
    %reduce_sum3A = arith.constant dense<0.000000e+00> : vector<64x128xf32>
    %reduce_sum3A_103 = vector.multi_reduction <add>, %add3A_102, %reduce_sum3A [1] : vector<64x64x128xf32> to vector<64x128xf32>
    %convert_element_type3A_104 = arith.fptosi %reduce_sum3A_103 : vector<64x128xf32> to vector<64x128xi32>
    %swap3A = arith.constant 0 : index
    %swap3A_105 = arith.constant 0 : index
    %swap3A_106 = vector.load %arg7[%swap3A, %swap3A_105] : memref<64x128xi32, #tpu.memory_space<vmem>>, vector<64x128xi32>
    tpu.vector_store %arg7[%swap3A, %swap3A_105], %convert_element_type3A_104 {strides = array<i32>} : memref<64x128xi32, #tpu.memory_space<vmem>>, vector<64x128xi32>,
    %eq3A_107 = arith.constant 0 : i32
    %eq3A_108 = arith.cmpi eq, %arg0, %eq3A_107 : i32
    %convert_element_type3A_109 = arith.extui %eq3A_108 : i1 to i32
    %cond3A = arith.constant 0 : i32
    %cond3A_110 = arith.cmpi ne, %convert_element_type3A_109, %cond3A : i32
    scf.if %cond3A_110 {
      %iota3A_111 = tpu.iota {dimensions = array<i32: 0>} : vector<72x128xi32>
      %convert_element_type3A_112 = arith.sitofp %iota3A_111 : vector<72x128xi32> to vector<72x128xf32>
      %mul3A_113 = arith.constant 1.562500e-02 : f32
      %mul3A_114 = vector.broadcast %mul3A_113 : f32 to vector<72x128xf32>
      %mul3A_115 = arith.mulf %convert_element_type3A_112, %mul3A_114 : vector<72x128xf32>
      %get3A_116 = arith.constant 0 : index
      %get3A_117 = arith.constant 0 : index
      %get3A_118 = vector.load %arg3[%get3A_116, %get3A_117] : memref<1x128xf32, #tpu.memory_space<vmem>>, vector<1x128xf32>
      %mul3A_119 = vector.broadcast %get3A_118 : vector<1x128xf32> to vector<72x128xf32>
      %mul3A_120 = arith.mulf %mul3A_115, %mul3A_119 : vector<72x128xf32>
      %get3A_121 = arith.constant 0 : index
      %get3A_122 = arith.constant 0 : index
      %get3A_123 = vector.load %arg4[%get3A_121, %get3A_122] : memref<1x128xf32, #tpu.memory_space<vmem>>, vector<1x128xf32>
      %add3A_124 = vector.broadcast %get3A_123 : vector<1x128xf32> to vector<72x128xf32>
      %add3A_125 = arith.addf %mul3A_120, %add3A_124 : vector<72x128xf32>
      %logistic3A = arith.negf %add3A_125 : vector<72x128xf32>
      %logistic3A_126 = math.exp %logistic3A : vector<72x128xf32>
      %logistic3A_127 = arith.constant 1.000000e+00 : f32
      %logistic3A_128 = vector.broadcast %logistic3A_127 : f32 to vector<72x128xf32>
      %logistic3A_129 = arith.addf %logistic3A_128, %logistic3A_126 : vector<72x128xf32>
      %logistic3A_130 = arith.divf %logistic3A_128, %logistic3A_129 : vector<72x128xf32>
      %mul3A_131 = arith.mulf %add3A_125, %logistic3A_130 : vector<72x128xf32>
      %get3A_132 = arith.constant 0 : index
      %get3A_133 = arith.constant 0 : index
      %get3A_134 = vector.load %arg5[%get3A_132, %get3A_133] : memref<128x128xf32, #tpu.memory_space<vmem>>, vector<128x128xf32>
      %dot_general3A_135 = arith.constant dense<0.000000e+00> : vector<72x128xf32>
      %dot_general3A_136 = tpu.matmul %mul3A_131, %get3A_134, %dot_general3A_135 {dimension_numbers = #tpu.dot_dimension_numbers<[1], [0], [0], [1], [0, 0, 1, 1], [], []>, transpose_lhs_hint = false} : vector<72x128xf32>, vector<128x128xf32>, vector<72x128xf32> -> vector<72x128xf32>
      %get3A_137 = arith.constant 0 : index
      %get3A_138 = arith.constant 0 : index
      %get3A_139 = vector.load %arg2[%get3A_137, %get3A_138] : memref<2x128xf32, #tpu.memory_space<vmem>>, vector<1x128xf32>
      %get3A_140 = arith.constant 1 : index
      %get3A_141 = arith.constant 0 : index
      %get3A_142 = vector.load %arg2[%get3A_140, %get3A_141] : memref<2x128xf32, #tpu.memory_space<vmem>>, vector<1x128xf32>
      %get3A_143 = arith.constant 0 : index
      %get3A_144 = arith.constant 0 : index
      %get3A_145 = vector.load %arg6[%get3A_143, %get3A_144] : memref<1x128xf32, #tpu.memory_space<vmem>>, vector<1x128xf32>
      %add3A_146 = vector.broadcast %get3A_145 : vector<1x128xf32> to vector<72x128xf32>
      %add3A_147 = arith.addf %dot_general3A_136, %add3A_146 : vector<72x128xf32>
      %add3A_148 = vector.broadcast %get3A_139 : vector<1x128xf32> to vector<72x128xf32>
      %add3A_149 = arith.addf %add3A_147, %add3A_148 : vector<72x128xf32>
      %sub3A_150 = arith.subf %get3A_142, %get3A_139 : vector<1x128xf32>
      %mul3A_151 = vector.broadcast %sub3A_150 : vector<1x128xf32> to vector<72x128xf32>
      %mul3A_152 = arith.mulf %mul3A_115, %mul3A_151 : vector<72x128xf32>
      %add3A_153 = arith.addf %add3A_149, %mul3A_152 : vector<72x128xf32>
      %swap3A_154 = arith.constant 0 : index
      %swap3A_155 = arith.constant 0 : index
      %swap3A_156 = vector.load %arg8[%swap3A_154, %swap3A_155] : memref<72x128xf32, #tpu.memory_space<vmem>>, vector<72x128xf32>
      tpu.vector_store %arg8[%swap3A_154, %swap3A_155], %add3A_153 {strides = array<i32>} : memref<72x128xf32, #tpu.memory_space<vmem>>, vector<72x128xf32>,
    } else {
    }
    return
  }
  func.func @transform_0(%arg0: i32) -> (i32, i32) {
    %c0_i32 = arith.constant 0 : i32
    %c0_i32_0 = arith.constant 0 : i32
    %c0_i32_1 = arith.constant 0 : i32
    return %c0_i32, %c0_i32_0 : i32, i32
  }
  func.func @transform_1(%arg0: i32) -> (i32, i32) {
    %c0_i32 = arith.constant 0 : i32
    %c0_i32_0 = arith.constant 0 : i32
    %c0_i32_1 = arith.constant 0 : i32
    return %c0_i32, %c0_i32_0 : i32, i32
  }
  func.func @transform_2(%arg0: i32) -> (i32, i32) {
    %c0_i32 = arith.constant 0 : i32
    %c0_i32_0 = arith.constant 0 : i32
    %c0_i32_1 = arith.constant 0 : i32
    return %c0_i32, %c0_i32_0 : i32, i32
  }
  func.func @transform_3(%arg0: i32) -> (i32, i32) {
    %c0_i32 = arith.constant 0 : i32
    %c0_i32_0 = arith.constant 0 : i32
    %c0_i32_1 = arith.constant 0 : i32
    return %c0_i32, %c0_i32_0 : i32, i32
  }
  func.func @transform_4(%arg0: i32) -> (i32, i32) {
    %c0_i32 = arith.constant 0 : i32
    %c0_i32_0 = arith.constant 0 : i32
    %c0_i32_1 = arith.constant 0 : i32
    return %c0_i32, %c0_i32_0 : i32, i32
  }
  func.func @transform_5(%arg0: i32) -> (i32, i32) {
    %c0_i32 = arith.constant 0 : i32
    %c0_i32_0 = arith.constant 0 : i32
    %c0_i32_1 = arith.constant 0 : i32
    return %c0_i32, %c0_i32_0 : i32, i32
  }
  func.func @transform_6(%arg0: i32) -> (i32, i32) {
    %c0_i32 = arith.constant 0 : i32
    %c0_i32_0 = arith.constant 0 : i32
    %c0_i32_1 = arith.constant 0 : i32
    return %c0_i32, %c0_i32_0 : i32, i32
  }
  func.func @transform_7(%arg0: i32) -> (i32, i32) {
    %c0_i32 = arith.constant 0 : i32
    %c0_i32_0 = arith.constant 0 : i32
    %c0_i32_1 = arith.constant 0 : i32
    return %c0_i32, %c0_i32_0 : i32, i32
  }
}

</mosaic_0001>

<sc_bundles>
// kernel: kernel.4.cloned.1.call-start
scs
__scs_entry_jumppad:
0x0: {  	(pc) =	sbr.rel $0x88, $3  }
0x1: {  	(tag) =	ssettag $0x0;
	lr =	simm.s32 $0x1  }
0x2: {  	[smem:$0x3F9B] =	sst lr;
	_ =	strace $0xD0000000  }
0x3: {  	_ = 	snop  }
0x4: {  	_ = 	snop  }
0x5: {  	_ = 	snop  }
0x6: {  	_ = 	snop  }
0x7: {  	_ = 	snop  }
__scs_overlays_trampoline_lowered:
0x8: {  	[smem:$0x3FAA] =	sst s0  }
0x9: {  	[smem:$0x3FAB] =	sst s1  }
0xa: {  	[smem:$0x3FAC] =	sst s2  }
0xb: {  	[smem:$0x3FAD] =	sst s3  }
0xc: {  	[smem:$0x3FAE] =	sst s4  }
0xd: {  	[smem:$0x3FAF] =	sst s5  }
0xe: {  	[smem:$0x3FB0] =	sst s6  }
0xf: {  	[smem:$0x3FB1] =	sst s7  }
0x10: {  	[smem:$0x3FB2] =	sst s8  }
0x11: {  	[smem:$0x3FB3] =	sst s9;
	s0 =	simm.s32 @!p0 $0x0  }
0x12: {  	s1 =	sld [smem:$0x3F99];
	s0 =	simm.s32 @p0 $0x1  }
0x13: {  	[smem:$0x3FB4] =	sst s0;
	s0 =	simm.s32 @!p1 $0x0  }
0x14: {  	s2 =	sld [smem:$0x3F98];
	s0 =	simm.s32 @p1 $0x1  }
0x15: {  	[smem:$0x3FB5] =	sst s0;
	s0 =	simm.s32 @!p2 $0x0  }
0x16: {  	s3 =	sld [smem:$0x3FDB];
	s0 =	simm.s32 @p2 $0x1  }
0x17: {  	s4 =	simm.s32 $0x1BF5;
	[smem:$0x3FB7] =	sst s0  }
0x18: {  	s0 =	sld [smem:$0x3F9A];
	_ =	swait.ge [sflag:s4], $0x0  }
0x19: {  	s7 =	sld [smem:$0x3F9B]  }
0x1a: {  	s8 =	sadd.s32 $0xFFFFE003, lr  }
0x1b: {  	s9 =	sadd.s32 $0xFFFFFEF7, lr;
	s5 =	simm.s32 $0xFFFFFFFF;
	p2 =	slt.u32 s8, $0xFFFFF086  }
0x1c: {  	p1 =	slt.u32 s9, $0xF7A;
	s5 =	simm.s32 @!p2 $0x0  }
0x1d: {  	s5 =	simm.s32 @p1 $0x1;
	p0 =	seq.s32 s7, s2  }
0x1e: {  	s7 =	smul.u32 @!p0 $0xF7A, s2;
	p2 =	seq.s32 @!p0 s5, $0x0  }
0x1f: {  	s9 =	smul.u32 $0xF7A, s1;
	s8 =	simm.s32 @!p0 $0x1BF5;
	p2 =	por !p2, p0  }
0x20: {  	[sflag:s8] =	ssyncset.s32 @!p0 $0xFFFFF086;
	s6 =	sadd.s32 @!p0 s3, s7;
	s7 =	simm.s32 @!p0 $0x108  }
0x21: {  	s3 =	sadd.s32 s3, s9;
	s6 =	sadd.s32 @!p0 $0x88, s6;
	s7 =	simm.s32 @p2 $0x1082  }
0x22: {  	[simem:s7], [sflag:s8] =	dma.local @!p0 [hbm:s6], $0xF7A  }
0x23: {  	s9 =	sor.u32 $0xD0000000, s2;
	s6 =	simm.s32 $0x108;
	_ =	swait.ge @!p0 [sflag:s8], $0x0  }
0x24: {  	s3 =	sadd.s32 $0x88, s3;
	s6 =	simm.s32 @!p1 $0x1082;
	[sflag:s4] =	ssyncset.s32 $0xFFFFF086  }
0x25: {  	[simem:s6], [sflag:s4] =	dma.local [hbm:s3], $0xF7A  }
0x26: {  	[smem:$0x3F9B] =	sst s1;
	(tag) =	ssettag s2;
	_ =	strace s9  }
0x27: {  	s1 =	sld [smem:$0x3FAB]  }
0x28: {  	s2 =	sld [smem:$0x3FAC]  }
0x29: {  	s4 =	sld [smem:$0x3FAE]  }
0x2a: {  	p0 =	seq.s32 s5, $0x0;
	s5 =	sld [smem:$0x3FAF]  }
0x2b: {  	s6 =	sld [smem:$0x3FB0]  }
0x2c: {  	s7 =	sld [smem:$0x3FB1]  }
0x2d: {  	s3 =	simm.s32 $0x108;
	s8 =	sld [smem:$0x3FB2]  }
0x2e: {  	s3 =	simm.s32 @!p0 $0x1082;
	s9 =	sld [smem:$0x3FB3]  }
0x2f: {  	lr =	sadd.s32 s0, s3;
	s0 =	sld [smem:$0x3FAA]  }
0x30: {  	s3 =	sld [smem:$0x3FAD]  }
0x31: {  	[smem:$0x3FB6] =	sst s10  }
0x32: {  	s10 =	sld [smem:$0x3FB4];
	_ =	sdelay $0x3  }
0x33: {  	p0 =	seq.s32 s10, $0x1;
	s10 =	sld [smem:$0x3FB6];
	_ =	sdelay $0x3  }
0x34: {  	[smem:$0x3FB6] =	sst s10  }
0x35: {  	s10 =	sld [smem:$0x3FB5];
	_ =	sdelay $0x3  }
0x36: {  	p1 =	seq.s32 s10, $0x1;
	s10 =	sld [smem:$0x3FB6];
	_ =	sdelay $0x3  }
0x37: {  	[smem:$0x3FB6] =	sst s10  }
0x38: {  	s10 =	sld [smem:$0x3FB7]  }
0x39: {  	_ = 	snop;
	(pc) =	sbr.ind lr, $3  }
0x3a: {  	_ = 	snop  }
0x3b: {  	_ = 	snop  }
0x3c: {  	p2 =	seq.s32 s10, $0x1;
	s10 =	sld [smem:$0x3FB6]  }
0x3d: {  	_ =	shalt  }
0x3e: {  	_ =	shalt  }
0x3f: {  	_ =	shalt  }
0x40: {  	_ =	shalt  }
0x41: {  	_ =	shalt  }
0x42: {  	_ =	shalt  }
0x43: {  	_ =	shalt  }
0x44: {  	_ =	shalt  }
0x45: {  	_ =	shalt  }
0x46: {  	_ =	shalt  }
0x47: {  	_ =	shalt  }
0x48: {  	_ =	shalt  }
0x49: {  	_ =	shalt  }
0x4a: {  	_ =	shalt  }
0x4b: {  	_ =	shalt  }
0x4c: {  	_ =	shalt  }
0x4d: {  	_ =	shalt  }
0x4e: {  	_ =	shalt  }
0x4f: {  	_ =	shalt  }
0x50: {  	_ =	shalt  }
0x51: {  	_ =	shalt  }
0x52: {  	_ =	shalt  }
0x53: {  	_ =	shalt  }
0x54: {  	_ =	shalt  }
0x55: {  	_ =	shalt  }
0x56: {  	_ =	shalt  }
0x57: {  	_ =	shalt  }
0x58: {  	_ =	shalt  }
0x59: {  	_ =	shalt  }
0x5a: {  	_ =	shalt  }
0x5b: {  	_ =	shalt  }
0x5c: {  	_ =	shalt  }
0x5d: {  	_ =	shalt  }
0x5e: {  	_ =	shalt  }
0x5f: {  	_ =	shalt  }
0x60: {  	_ =	shalt  }
0x61: {  	_ =	shalt  }
0x62: {  	_ =	shalt  }
0x63: {  	_ =	shalt  }
0x64: {  	_ =	shalt  }
0x65: {  	_ =	shalt  }
0x66: {  	_ =	shalt  }
0x67: {  	_ =	shalt  }
0x68: {  	_ =	shalt  }
0x69: {  	_ =	shalt  }
0x6a: {  	_ =	shalt  }
0x6b: {  	_ =	shalt  }
0x6c: {  	_ =	shalt  }
0x6d: {  	_ =	shalt  }
0x6e: {  	_ =	shalt  }
0x6f: {  	_ =	shalt  }
0x70: {  	_ =	shalt  }
0x71: {  	_ =	shalt  }
0x72: {  	_ =	shalt  }
0x73: {  	_ =	shalt  }
0x74: {  	_ =	shalt  }
0x75: {  	_ =	shalt  }
0x76: {  	_ =	shalt  }
0x77: {  	_ =	shalt  }
0x78: {  	_ =	shalt  }
0x79: {  	_ =	shalt  }
0x7a: {  	_ =	shalt  }
0x7b: {  	_ =	shalt  }
0x7c: {  	_ =	shalt  }
0x7d: {  	_ =	shalt  }
0x7e: {  	_ =	shalt  }
0x7f: {  	_ =	shalt  }
0x80: {  	_ =	shalt  }
0x81: {  	_ =	shalt  }
0x82: {  	_ =	shalt  }
0x83: {  	_ =	shalt  }
0x84: {  	_ =	shalt  }
0x85: {  	_ =	shalt  }
0x86: {  	_ =	shalt  }
0x87: {  	_ =	shalt  }
.Lfunc_end0:
.L_simem_size_0:
called_computation_lowered:
.L_overlay_start_0:
0x88: {  	s2 =	sld [smem:$0x3FD9]  }
0x89: {  	s3 =	sld [smem:$0x3FFE];
	_ =	sdelay $0x1  }
0x8a: {  	s1 =	srdreg.scid  }
0x8b: {  	s0 =	sand.u32 $0x1, s1  }
0x8c: {  	s17 =	sshll.u32 s0, $0xA;
	s2 =	sadd.s32 s3, s2  }
0x8d: {  	s2 =	sadd.s32 s2, s17  }
0x8e: {  	[smem:$0x3FC2] =	sst s2  }
0x8f: {  	_ = 	snop  }
0x90: {  	s2 =	sld [smem:$0x3FD0];
	(tm) =	ssettm $0x1  }
0x91: {  	s18 =	sld [smem:$0x3FFB];
	_ =	sdelay $0x3  }
0x92: {  	_ =	strace s18  }
0x93: {  	s3 =	sld [smem:$0x3FFC];
	_ =	sdelay $0x3  }
0x94: {  	_ =	strace s3  }
0x95: {  	s3 =	sld [smem:$0x3FFD];
	_ =	sdelay $0x3  }
0x96: {  	_ =	strace s3  }
0x97: {  	_ =	strace $0x8FFFFFFF  }
0x98: {  	s19 =	sld [smem:$0x3FDB];
	_ =	sdelay $0x1  }
0x99: {  	s4 =	simm.s32 $_scs_section_size  }
0x9a: {  	s5 =	simm.s32 $_size__tile_overlayer_lowered;
	s6 =	simm.s32 $_tile_overlayer_lowered  }
0x9b: {  	s22 =	simm.s32 $0x1BFF;
	s21 =	sshll.u32 s6, $0x1;
	s3 =	sadd.s32 s4, s19  }
0x9c: {  	s7 =	simm.s32 $0x0;
	s20 =	sshll.u32 s5, $0x1;
	s5 =	sadd.s32 s21, s3  }
0x9d: {  	[timem:s7], [sflag:s22] =	dma.local [hbm:s5], s20  }
0x9e: {  	_ =	swait.ge [sflag:s22], s20  }
0x9f: {  	s4 =	ssub.s32 $0x0, s20;
	[sflag:s22] =	ssyncset.done $0x0  }
0xa0: {  	[sflag:s22] =	ssyncadd.s32 s4;
	_ =	sdelay $0x1  }
0xa1: {  	s23 =	simm.s32 $0x1B8B  }
0xa2: {  	_ =	swait.ge [sflag:s23], $0x1  }
0xa3: {  	[sflag:s23] =	ssyncset.done $0x0  }
0xa4: {  	s25 =	simm.s32 $0x1B8E;
	s24 =	sld [smem:$0x3FFE];
	[sflag:s23] =	ssyncadd.s32 $0xFFFFFFFF  }
0xa5: {  	s26 =	simm.s32 $execute0_lowered;
	[smem:$0x3FD2] =	sst s25  }
0xa6: {  	s5 =	sshll.u32 s26, $0x1;
	_ =	strace $0x80000046;
	[dreg:$0x1] =	wrdreg $0xFFFFFFFF  }
0xa7: {  	s28 =	simm.s32 $_size_execute0_lowered;
	s3 =	sadd.s32 s3, s5;
	[dreg:$0x0] =	wrdreg $0x0  }
0xa8: {  	s5 =	sshll.u32 s28, $0x1;
	[dreg:$0x2] =	wrdreg s3  }
0xa9: {  	[dreg:$0x3] =	wrdreg s5  }
0xaa: {  	[dreg:$0x4] =	wrdreg $0xC0  }
0xab: {  	_ =	task [dreg:s7], $0x5FFFF  }
0xac: {  	[dreg:$0x1] =	wrdreg $0xFFFFFFFF  }
0xad: {  	[dreg:$0x0] =	wrdreg $0x60  }
0xae: {  	[dreg:$0x2] =	wrdreg s24  }
0xaf: {  	[dreg:$0x3] =	wrdreg s2  }
0xb0: {  	[dreg:$0x4] =	wrdreg $0x0  }
0xb1: {  	[dreg:$0x5] =	wrdreg $0x9  }
0xb2: {  	_ =	task.clear_ibuf [dreg:s7], $0x6FFFF;
	_ =	strace $0x90000046  }
0xb3: {  	s29 =	simm.s32 $0x9;
	_ =	strace $0x80000048  }
0xb4: {  	_ =	swait.ge [sflag:s29], $0x1  }
0xb5: {  	[sflag:s29] =	ssyncadd.s32 $0xFFFFFFFF  }
0xb6: {  	_ =	strace $0x90000048  }
0xb7: {  	_ =	sfence  }
0xb8: {  	s30 =	sld [smem:$0x0];
	_ =	sdelay $0x2  }
0xb9: {  	s31 =	sshll.u32 s1, $0xD;
	s1 =	sshrl.u32 s1, $0x2  }
0xba: {  	s3 =	sand.u32 $0x4000, s31;
	s1 =	sadd.s32 s1, s30  }
0xbb: {  	s0 =	sor.u32 s3, s0;
	s1 =	sshll.u32 s1, $0x11  }
0xbc: {  	s0 =	sor.u32 s1, s0  }
0xbd: {  	s0 =	sadd.s32 $0x8F2B, s0  }
0xbe: {  	[sflag:s0] =	ssyncadd.remote.s32 $0x1  }
0xbf: {  	_ =	sfence.sel $0xFFFF  }
0xc0: {  	[dreg:$0x0] =	wrdreg $0xFFFFFFFF;
	(pc) =	sbr.abs _section_cstart, $3  }
0xc1: {  	[dreg:$0x1] =	wrdreg $0xFFFFFFFF  }
0xc2: {  	_ =	task.clear_ibuf [dreg:s7], $0x2FFFF;
	_ =	strace $0x9FFFFFFF  }
0xc3: {  	(tm) =	ssettm $0x7FFFFFFF  }
tec
execute0_lowered:
.L_overlay_start_1:
0x0: {  	(tag) =	ssettag $0x1  }
0x1: {  	s5 =	srdreg.scid;
	s7 =	stileid.u32  }
0x2: {  	s3 =	rddreg [dreg:$0x0];
	s5 =	sand.u32 $0x1, s5;
	s6 =	sshll.u32 s7, $0x1  }
0x3: {  	s4 =	rddreg [dreg:$0x1];
	s8 =	sor.u32 s5, s6;
	s5 =	ssub.s32 $0x2, s5  }
0x4: {  	s2 =	rddreg [dreg:$0x2];
	s31 =	sshrl.u32 s5, $0x1  }
0x5: {  	s0 =	rddreg [dreg:$0x3];
	s1 =	simm.s32 $0x0;
	s5 =	ssub.s32 s5, s31  }
0x6: {  	s10 =	simm.s32 $0x240;
	s13 =	simm.s32 $0x3;
	s5 =	smax.u32 s5, $0x1  }
0x7: {  	s12 =	simm.s32 $0x80;
	s14 =	simm.s32 $0x2C0;
	s18 =	sadd.s32 $0xFFFFFFFF, s5  }
0x8: {  	s11 =	simm.s32 $0x1;
	p1 =	por $0x0, $0x0;
	p2 =	sne.s32 s18, $0x0  }
.Ltmp0:
0x9: {  	[smem:$0x7FF] =	sst s1;
	p0 =	sne.s32 s7, $0x0;
	(pc) =	sbr.rel @!p2 .LBB2_3-.Ltmp0, $4  }
0xa: {  	s7 =	simm.s32 $0x4340;
	_ =	strace $0x80000047;
	s6 =	sadd.s32 $0x1400, s3  }
0xb: {  	s15 =	sshrl.u32 @!p0 s2, $0x3;
	s9 =	sshll.u32 s8, $0x5;
	s8 =	sshll.u32 s8, $0xC  }
0xc: {  	s3 =	sadd.s32 s9, s3;
	s4 =	sadd.s32 s4, s8;
	s8 =	simm.s32 $0x340  }
0xd: {  	s9 =	sadd.s32 $0x1A00, s3;
	s3 =	sadd.s32 $0x800, s4;
	s5 =	simm.s32 $0x2  }
0xe: {  	s16 =	simm.s32 @!p0 $0x1C03;
	s17 =	simm.s32 @!p0 $0x3  }
0xf: {  	[spmem:s15], [sflag:s16] =	dma.local @!p0 [hbm:s6], $0x480  }
0x10: {  	_ =	swait.ge @!p0 [sflag:s17], $0x480  }
0x11: {  	[sflag:s17] =	ssyncset.done @!p0 $0x0  }
0x12: {  	[sflag:s17] =	ssyncadd.s32 @!p0 $0xFFFFFB80  }
0x13: {  	[tilespmem:s10], [sflag:$0x3] =	stream.linear.gather [hbm4b:s9+s1], $0x100, $0x38;
	[tilespmem:$0x8340] =	vst v63  }
0x14: {  	_ =	swait.ge [sflag:s13], $0x100  }
0x15: {  	[sflag:s13] =	ssyncset.done $0x0  }
0x16: {  	[sflag:s13] =	ssyncadd.s32 $0xFFFFFF00  }
0x17: {  	[bflag:$0x0] =	sbarrier.arrive $0xFFFF  }
0x18: {  	[tilespmem:s8], [sflag:$0x1] =	stream.indirect.gather [spmem:s2], $0x80, s10, s12, $0xb8;
	[tilespmem:$0x8340] =	vst v63  }
0x19: {  	_ = 	snop  }
0x1a: {  	[tilespmem:s7], [sflag:$0x1] =	stream.indirect.gather [spmem:s2], $0x80, s14, s12, $0xb8;
	[tilespmem:$0x8340] =	vst v63  }
0x1b: {  	_ =	swait.ge [sflag:s11], $0x4000  }
0x1c: {  	[sflag:s11] =	ssyncset.done $0x0  }
0x1d: {  	[sflag:s11] =	ssyncadd.s32 $0xFFFFC000  }
0x1e: {  	[hbm4b:s4+s1] =	stream.linear.scatter [tilespmem:s8], [sflag:$0x2], $0x4000, $0x38;
	[tilespmem:$0x8340] =	vst v63  }
0x1f: {  	_ =	swait.ge [sflag:s11], $0x4000  }
0x20: {  	s18 =	sadd.s32 $0xFFFFFFFF, s18;
	[sflag:s11] =	ssyncset.done $0x0  }
0x21: {  	p2 =	sne.s32 s18, $0x0;
	[sflag:s11] =	ssyncadd.s32 $0xFFFFC000  }
0x22: {  	[hbm4b:s3+s1] =	stream.linear.scatter [tilespmem:s7], [sflag:$0x2], $0x4000, $0x38;
	[tilespmem:$0x8340] =	vst v63  }
.Ltmp1:
0x23: {  	_ =	swait.ge [sflag:s5], $0x4000;
	(pc) =	sbr.rel @!p2 .LBB2_3-.Ltmp1, $4  }
0x24: {  	[sflag:s5] =	ssyncset.done $0x0  }
0x25: {  	[sflag:s5] =	ssyncadd.s32 $0xFFFFC000  }
0x26: {  	_ =	swait.ge [sflag:s5], $0x4000  }
0x27: {  	p1 =	por $0x1, $0x1;
	[sflag:s5] =	ssyncset.done $0x0  }
.LBB2_2:
0x28: {  	[sflag:s5] =	ssyncadd.s32 $0xFFFFC000  }
0x29: {  	[spmem:s15], [sflag:s16] =	dma.local @!p0 [hbm:s6], $0x480  }
0x2a: {  	s18 =	sadd.s32 $0xFFFFFFFF, s18;
	_ =	swait.ge @!p0 [sflag:s17], $0x480  }
0x2b: {  	p2 =	sne.s32 s18, $0x0;
	[sflag:s17] =	ssyncset.done @!p0 $0x0  }
0x2c: {  	[sflag:s17] =	ssyncadd.s32 @!p0 $0xFFFFFB80  }
0x2d: {  	[tilespmem:s10], [sflag:$0x3] =	stream.linear.gather [hbm4b:s9+s1], $0x100, $0x38;
	[tilespmem:$0x8340] =	vst v63  }
0x2e: {  	_ =	swait.ge [sflag:s13], $0x100  }
0x2f: {  	[sflag:s13] =	ssyncset.done $0x0  }
0x30: {  	[sflag:s13] =	ssyncadd.s32 $0xFFFFFF00  }
0x31: {  	[bflag:$0x0] =	sbarrier.arrive $0xFFFF  }
0x32: {  	[tilespmem:s8], [sflag:$0x1] =	stream.indirect.gather [spmem:s2], $0x80, s10, s12, $0xb8;
	[tilespmem:$0x8340] =	vst v63  }
0x33: {  	_ = 	snop  }
0x34: {  	[tilespmem:s7], [sflag:$0x1] =	stream.indirect.gather [spmem:s2], $0x80, s14, s12, $0xb8;
	[tilespmem:$0x8340] =	vst v63  }
0x35: {  	_ =	swait.ge [sflag:s11], $0x4000  }
0x36: {  	[sflag:s11] =	ssyncset.done $0x0  }
0x37: {  	[sflag:s11] =	ssyncadd.s32 $0xFFFFC000  }
0x38: {  	[hbm4b:s4+s1] =	stream.linear.scatter [tilespmem:s8], [sflag:$0x2], $0x4000, $0x38;
	[tilespmem:$0x8340] =	vst v63  }
0x39: {  	_ =	swait.ge [sflag:s11], $0x4000  }
0x3a: {  	[sflag:s11] =	ssyncset.done $0x0  }
0x3b: {  	[sflag:s11] =	ssyncadd.s32 $0xFFFFC000  }
0x3c: {  	[hbm4b:s3+s1] =	stream.linear.scatter [tilespmem:s7], [sflag:$0x2], $0x4000, $0x38;
	[tilespmem:$0x8340] =	vst v63  }
.Ltmp2:
0x3d: {  	_ =	swait.ge [sflag:s5], $0x4000;
	(pc) =	sbr.rel @p2 .LBB2_2-.Ltmp2, $4  }
0x3e: {  	[sflag:s5] =	ssyncset.done $0x0  }
0x3f: {  	[sflag:s5] =	ssyncadd.s32 $0xFFFFC000  }
0x40: {  	_ =	swait.ge [sflag:s5], $0x4000  }
0x41: {  	[sflag:s5] =	ssyncset.done $0x0  }
.LBB2_3:
0x42: {  	s16 =	simm.s32 @!p0 $0x1C03;
	s17 =	simm.s32 @!p0 $0x3;
	[sflag:s5] =	ssyncadd.s32 @p1 $0xFFFFC000  }
0x43: {  	[spmem:s15], [sflag:s16] =	dma.local @!p0 [hbm:s6], $0x480  }
0x44: {  	_ =	swait.ge @!p0 [sflag:s17], $0x480  }
0x45: {  	[sflag:s17] =	ssyncset.done @!p0 $0x0  }
0x46: {  	[sflag:s17] =	ssyncadd.s32 @!p0 $0xFFFFFB80  }
0x47: {  	[tilespmem:s10], [sflag:$0x3] =	stream.linear.gather [hbm4b:s9+s1], $0x100, $0x38;
	[tilespmem:$0x8340] =	vst v63  }
0x48: {  	_ =	swait.ge [sflag:s13], $0x100  }
0x49: {  	[sflag:s13] =	ssyncset.done $0x0  }
0x4a: {  	[sflag:s13] =	ssyncadd.s32 $0xFFFFFF00  }
0x4b: {  	[bflag:$0x0] =	sbarrier.arrive $0xFFFF  }
0x4c: {  	[tilespmem:s8], [sflag:$0x1] =	stream.indirect.gather [spmem:s2], $0x80, s10, s12, $0xb8;
	[tilespmem:$0x8340] =	vst v63  }
0x4d: {  	_ = 	snop  }
0x4e: {  	[tilespmem:s7], [sflag:$0x1] =	stream.indirect.gather [spmem:s2], $0x80, s14, s12, $0xb8;
	[tilespmem:$0x8340] =	vst v63  }
0x4f: {  	_ =	swait.ge [sflag:s11], $0x4000  }
0x50: {  	[sflag:s11] =	ssyncset.done $0x0  }
0x51: {  	[sflag:s11] =	ssyncadd.s32 $0xFFFFC000  }
0x52: {  	[hbm4b:s4+s1] =	stream.linear.scatter [tilespmem:s8], [sflag:$0x2], $0x4000, $0x38;
	[tilespmem:$0x8340] =	vst v63  }
0x53: {  	_ =	swait.ge [sflag:s11], $0x4000  }
0x54: {  	[sflag:s11] =	ssyncset.done $0x0  }
0x55: {  	[sflag:s11] =	ssyncadd.s32 $0xFFFFC000  }
0x56: {  	[hbm4b:s3+s1] =	stream.linear.scatter [tilespmem:s7], [sflag:$0x2], $0x4000, $0x38;
	[tilespmem:$0x8340] =	vst v63  }
0x57: {  	_ =	swait.ge [sflag:s5], $0x4000  }
0x58: {  	[sflag:s5] =	ssyncset.done $0x0  }
0x59: {  	[sflag:s5] =	ssyncadd.s32 $0xFFFFC000  }
0x5a: {  	_ =	swait.ge [sflag:s5], $0x4000  }
0x5b: {  	[sflag:s5] =	ssyncset.done $0x0  }
0x5c: {  	[sflag:s5] =	ssyncadd.s32 $0xFFFFC000  }
0x5d: {  	_ =	sfence.sel $0x180000  }
0x5e: {  	[bflag:$0x0] =	sbarrier.arrive $0xFFFF  }
0x5f: {  	_ =	strace $0x90000047  }
0x60: {  	s0 =	sadd.s32 @!p0 $0x100000, s0;
	[bflag:$0x2] =	sbarrier.arrive $0xFFFF  }
0x61: {  	[sflag:s0] =	ssyncadd.tile.s32 @!p0 $0x1;
	_ =	shalt  }
.Lfunc_end2:
_tile_overlayer_lowered:
.L_overlay_start_2:
0x62: {  	(tag) =	ssettag $0x2  }
0x63: {  	s0 =	rddreg [dreg:$0x0];
	s2 =	stileid.u32  }
0x64: {  	s1 =	rddreg [dreg:$0x1];
	p0 =	sne.s32 s2, $0x0  }
0x65: {  	s3 =	rddreg [dreg:$0x2];
	[bflag:$0x3] =	sbarrier.arrive $0xFFFF;
	s2 =	simm.s32 @!p0 $0x1C03  }
0x66: {  	[timem:s3], [sflag:s2] =	dma.local @!p0 [hbm:s0], s1  }
0x67: {  	s0 =	simm.s32 @!p0 $0x3  }
0x68: {  	_ =	swait.ge @!p0 [sflag:s0], s1  }
0x69: {  	s1 =	ssub.s32 @!p0 $0x0, s1;
	[sflag:s0] =	ssyncset.done @!p0 $0x0  }
0x6a: {  	[sflag:s0] =	ssyncadd.s32 @!p0 s1  }
0x6b: {  	[bflag:$0x3] =	sbarrier.arrive $0xFFFF  }
0x6c: {  	_ =	shalt  }

</sc_bundles>
